<compile_context>
chip_gen: v7x
topology: tpu7x:2x2x1
jax: 0.10.2.dev20260603
libtpu: 0.0.44.dev20260713+nightly
codegen_flags: <defaults>
</compile_context>

<pallas_src>
import jax
import jax.numpy as jnp
from jax import lax
from jax.experimental import pallas as pl
from jax.experimental.pallas import tpu as pltpu
from jax.experimental.pallas import tpu_sc as plsc

N_BOX = 20000
N_PAD = 20480
K_SEL = 2000
K_PAD = 2048
POST = 1000
OUT_ROWS = 1024
IOU_THR = 0.7
MIN_SIZE = 16.0
ROW_BLK = 256


def _mask_scores_kernel(hw_ref, bx_ref, sc_ref, out_ref):
    h = hw_ref[0]
    w = hw_ref[1]
    cx1 = jnp.clip(bx_ref[0:1, :], 0.0, w)
    cy1 = jnp.clip(bx_ref[1:2, :], 0.0, h)
    cx2 = jnp.clip(bx_ref[2:3, :], 0.0, w)
    cy2 = jnp.clip(bx_ref[3:4, :], 0.0, h)
    valid = ((cx2 - cx1) >= MIN_SIZE) & ((cy2 - cy1) >= MIN_SIZE)
    out_ref[...] = jnp.where(valid, sc_ref[...], -1.0)


def _nms_kernel(hw_ref, g_ref, gc_ref, sv_ref, out_ref, gclip_ref, m_ref):
    h = hw_ref[0]
    w = hw_ref[1]

    cx1r = jnp.clip(g_ref[:, 0:1], 0.0, w)
    cy1r = jnp.clip(g_ref[:, 1:2], 0.0, h)
    cx2r = jnp.clip(g_ref[:, 2:3], 0.0, w)
    cy2r = jnp.clip(g_ref[:, 3:4], 0.0, h)
    gclip_ref[:, 0:1] = cx1r
    gclip_ref[:, 1:2] = cy1r
    gclip_ref[:, 2:3] = cx2r
    gclip_ref[:, 3:4] = cy2r
    gclip_ref[:, 4:5] = g_ref[:, 4:5]
    gclip_ref[:, 5:6] = (cx2r - cx1r) * (cy2r - cy1r)
    gclip_ref[:, 6:8] = jnp.zeros((K_PAD, 2), jnp.float32)

    cx1c = jnp.clip(gc_ref[0:1, :], 0.0, w)
    cy1c = jnp.clip(gc_ref[1:2, :], 0.0, h)
    cx2c = jnp.clip(gc_ref[2:3, :], 0.0, w)
    cy2c = jnp.clip(gc_ref[3:4, :], 0.0, h)
    areas_c = (cx2c - cx1c) * (cy2c - cy1c)

    col_j = lax.broadcasted_iota(jnp.int32, (ROW_BLK, K_PAD), 1)
    row_i0 = lax.broadcasted_iota(jnp.int32, (ROW_BLK, K_PAD), 0)

    def make_block(i, carry):
        r0 = i * ROW_BLK
        x1b = gclip_ref[pl.ds(r0, ROW_BLK), 0:1]
        y1b = gclip_ref[pl.ds(r0, ROW_BLK), 1:2]
        x2b = gclip_ref[pl.ds(r0, ROW_BLK), 2:3]
        y2b = gclip_ref[pl.ds(r0, ROW_BLK), 3:4]
        ab = gclip_ref[pl.ds(r0, ROW_BLK), 5:6]
        xx1 = jnp.maximum(x1b, cx1c)
        yy1 = jnp.maximum(y1b, cy1c)
        xx2 = jnp.minimum(x2b, cx2c)
        yy2 = jnp.minimum(y2b, cy2c)
        inter = jnp.maximum(xx2 - xx1, 0.0) * jnp.maximum(yy2 - yy1, 0.0)
        iou = inter / (ab + areas_c - inter + 1e-06)
        upper = col_j > (row_i0 + r0)
        m_ref[pl.ds(r0, ROW_BLK), :] = ((iou > IOU_THR) & upper).astype(
            jnp.float32
        )
        return carry

    lax.fori_loop(0, K_PAD // ROW_BLK, make_block, 0)

    init_sup = (sv_ref[...] <= -0.5).astype(jnp.float32)

    def cond_fn(carry):
        return carry[1]

    def body_fn(carry):
        s, _ = carry
        kept = 1.0 - s
        contrib = jnp.dot(
            kept, m_ref[...], preferred_element_type=jnp.float32
        )
        s_new = jnp.maximum(init_sup, (contrib > 0.0).astype(jnp.float32))
        changed = jnp.any(s_new != s)
        return (s_new, changed)

    s_fix, _ = lax.while_loop(
        cond_fn, body_fn, (init_sup, jnp.asarray(True))
    )

    kept = 1.0 - s_fix

    posq = kept
    shift = 1
    while shift < K_PAD:
        shifted = jnp.concatenate(
            [jnp.zeros((1, shift), jnp.float32), posq[:, : K_PAD - shift]],
            axis=1,
        )
        posq = posq + shifted
        shift *= 2

    p_iota = lax.broadcasted_iota(jnp.int32, (OUT_ROWS, K_PAD), 0) + 1
    onehot = jnp.where(
        (p_iota == posq.astype(jnp.int32)) & (kept > 0.0), 1.0, 0.0
    )
    out_ref[...] = jnp.dot(
        onehot, gclip_ref[...], preferred_element_type=jnp.float32
    )


N_WORKERS = 32
B_PER_W = K_PAD // N_WORKERS
TBL_D = 128


def _sc_gather_body(table_hbm, idx_hbm, out_hbm, idx_v, rows_v, sem):
    wid = lax.axis_index("s") * 2 + lax.axis_index("c")
    base = wid * B_PER_W
    pltpu.sync_copy(idx_hbm.at[pl.ds(base, B_PER_W)], idx_v)
    pltpu.async_copy(table_hbm.at[idx_v], rows_v, sem).wait()
    pltpu.sync_copy(rows_v, out_hbm.at[pl.ds(base, B_PER_W)])


def _run_sc_gather(table, idx):
    mesh = plsc.VectorSubcoreMesh(core_axis_name="c", subcore_axis_name="s")
    return pl.kernel(
        _sc_gather_body,
        mesh=mesh,
        out_type=jax.ShapeDtypeStruct((K_PAD, TBL_D), jnp.float32),
        scratch_types=[
            pltpu.VMEM((B_PER_W,), jnp.int32),
            pltpu.VMEM((B_PER_W, TBL_D), jnp.float32),
            pltpu.SemaphoreType.DMA,
        ],
    )(table, idx)


def _run_mask(hw, bx, sc):
    return pl.pallas_call(
        _mask_scores_kernel,
        out_shape=jax.ShapeDtypeStruct((1, N_PAD), jnp.float32),
        in_specs=[
            pl.BlockSpec(memory_space=pltpu.SMEM),
            pl.BlockSpec(memory_space=pltpu.VMEM),
            pl.BlockSpec(memory_space=pltpu.VMEM),
        ],
        out_specs=pl.BlockSpec(memory_space=pltpu.VMEM),
    )(hw, bx, sc)


def _run_nms(hw, g, gc, sv):
    return pl.pallas_call(
        _nms_kernel,
        out_shape=jax.ShapeDtypeStruct((OUT_ROWS, 8), jnp.float32),
        in_specs=[
            pl.BlockSpec(memory_space=pltpu.SMEM),
            pl.BlockSpec(memory_space=pltpu.VMEM),
            pl.BlockSpec(memory_space=pltpu.VMEM),
            pl.BlockSpec(memory_space=pltpu.VMEM),
        ],
        out_specs=pl.BlockSpec(memory_space=pltpu.VMEM),
        scratch_shapes=[
            pltpu.VMEM((K_PAD, 8), jnp.float32),
            pltpu.VMEM((K_PAD, K_PAD), jnp.float32),
        ],
    )(hw, g, gc, sv)


def kernel(boxes, scores, img_h, img_w):
    h = jnp.asarray(img_h, jnp.float32)
    w = jnp.asarray(img_w, jnp.float32)
    hw = jnp.stack([h, w])

    bx = jnp.pad(boxes, ((0, N_PAD - N_BOX), (0, 0))).T
    sc = jnp.pad(scores, (0, N_PAD - N_BOX))[None, :]

    masked = _run_mask(hw, bx, sc)
    vals, idx = lax.top_k(masked[0], K_SEL)

    table = jnp.concatenate(
        [boxes, scores[:, None], jnp.zeros((N_BOX, 3), jnp.float32)],
        axis=1,
    )
    table = jnp.pad(table, ((0, 0), (0, TBL_D - 8)))
    idx_pad = jnp.pad(idx, (0, K_PAD - K_SEL))
    g = _run_sc_gather(table, idx_pad)[:, :8]
    gc = g.T
    sv = jnp.pad(vals, (0, K_PAD - K_SEL), constant_values=-1.0)[None, :]

    out = _run_nms(hw, g, gc, sv)
    return out[:POST, :5]

# --- scband reference (transcript-rebuilt; emitter-appended) ---
"""Pipeline reference for scband-region-proposal-network-26087631356446 (READ-ONLY COPY).

The authoritative reference and input builder live on the scoring server;
editing this copy changes nothing except your own understanding.
"""

import jax, jax.numpy as jnp
import numpy as np

N_BOXES = 20000
PRE_NMS = 2000
POST_NMS = 1000
NMS_THR = 0.7
MIN_SZ = 16.0


def _select_indices(boxes, scores, H, W):
    # Faithful replication of RegionProposalNetwork._filter index selection:
    # clip -> min-size filter -> top-k(pre_nms) by score -> greedy NMS -> post_nms cap.
    cx1 = jnp.clip(boxes[:, 0], 0.0, W)
    cx2 = jnp.clip(boxes[:, 2], 0.0, W)
    cy1 = jnp.clip(boxes[:, 1], 0.0, H)
    cy2 = jnp.clip(boxes[:, 3], 0.0, H)
    valid = ((cx2 - cx1) >= MIN_SZ) & ((cy2 - cy1) >= MIN_SZ)
    s = jnp.where(valid, scores, -jnp.inf)
    k = min(PRE_NMS, s.shape[0])
    order = jnp.argsort(-s, stable=True)[:k]
    finite = jnp.isfinite(s[order])
    x1 = cx1[order]
    y1 = cy1[order]
    x2 = cx2[order]
    y2 = cy2[order]
    areas = (x2 - x1) * (y2 - y1)
    idxs = jnp.arange(k)

    def body(i, state):
        suppressed, keep_idx, count = state
        take = (~suppressed[i]) & (count < POST_NMS)
        pos = jnp.minimum(count, POST_NMS - 1)
        keep_idx = keep_idx.at[pos].set(jnp.where(take, i, keep_idx[pos]))
        new_count = count + take.astype(count.dtype)
        do_sup = take & (new_count < POST_NMS)
        xx1 = jnp.maximum(x1[i], x1)
        yy1 = jnp.maximum(y1[i], y1)
        xx2 = jnp.minimum(x2[i], x2)
        yy2 = jnp.minimum(y2[i], y2)
        inter = jnp.maximum(xx2 - xx1, 0.0) * jnp.maximum(yy2 - yy1, 0.0)
        iou = inter / (areas[i] + areas - inter + 1e-06)
        sup_new = (iou > NMS_THR) & (idxs > i)
        suppressed = suppressed | (sup_new & do_sup)
        return suppressed, keep_idx, new_count

    state0 = (~finite, jnp.zeros(POST_NMS, dtype=jnp.int32), jnp.zeros((), dtype=jnp.int32))
    suppressed, keep_idx, count = jax.lax.fori_loop(0, k, body, state0)
    vmask_b = jnp.arange(POST_NMS) < count
    out_idx = jnp.where(vmask_b, order[keep_idx], 0)
    vmask = vmask_b.astype(jnp.float32)
    return out_idx, vmask


def setup_inputs(seed: int = 0):
    key = jax.random.key(seed)
    k1, k2, k3 = jax.random.split(key, 3)
    xy = jax.random.uniform(k1, (N_BOXES, 2), minval=0.0, maxval=1000.0, dtype=jnp.float32)
    wh = jax.random.uniform(k2, (N_BOXES, 2), minval=8.0, maxval=320.0, dtype=jnp.float32)
    boxes = jnp.concatenate([xy, xy + wh], axis=1)
    scores = jax.random.uniform(k3, (N_BOXES,), dtype=jnp.float32)
    return {'boxes': boxes, 'scores': scores, 'img_h': 1024, 'img_w': 1024}


def reference(boxes, scores, img_h, img_w):
    H = jnp.asarray(img_h, dtype=boxes.dtype)
    W = jnp.asarray(img_w, dtype=boxes.dtype)
    idx, vmask = _select_indices(boxes, scores, H, W)
    v = vmask.astype(boxes.dtype)
    x1 = jnp.clip(boxes[:, 0], 0.0, W)
    y1 = jnp.clip(boxes[:, 1], 0.0, H)
    x2 = jnp.clip(boxes[:, 2], 0.0, W)
    y2 = jnp.clip(boxes[:, 3], 0.0, H)
    clipped = jnp.stack([x1, y1, x2, y2], axis=1)
    out_b = jnp.take(clipped, idx, axis=0) * v[:, None]
    out_s = jnp.take(scores, idx, axis=0) * v
    return jnp.concatenate([out_b, out_s[:, None]], axis=1)

if __name__ == "__main__":
    import jax
    _d = setup_inputs()
    print(jax.jit(kernel)(*tuple(_d.values())))

</pallas_src>

<mosaic_0001>
#map = affine_map<(d0, d1) -> (0, 0)>
#map1 = affine_map<(d0, d1) -> (0)>
module attributes {stable_mosaic.version = 14 : i64} {
  func.func @_sc_gather_body(%arg0: i32, %arg1: i32, %arg2: memref<20000x128xf32, #tpu.memory_space<hbm>>, %arg3: memref<2048xi32, #tpu.memory_space<hbm>>, %arg4: memref<2048x128xf32, #tpu.memory_space<hbm>>, %arg5: memref<64xi32, #tpu.memory_space<vmem>>, %arg6: memref<64x128xf32, #tpu.memory_space<vmem>>, %arg7: memref<!tpu.dma_semaphore, #tpu.memory_space<semaphore_mem>>) attributes {dimension_semantics = [#tpu.dimension_semantics<core_parallel>, #tpu.dimension_semantics<subcore_parallel>], iteration_bounds = array<i64: 2, 16>, scalar_prefetch = 0 : i64, scratch_operands = 3 : i64, tpu.core_type = #tpu.core_type<sc_vector_subcore>, window_params = [{transform_indices = #map}, {transform_indices = #map1}, {transform_indices = #map}]} {
    %mul3A = arith.constant 2 : i32
    %mul3A_0 = arith.muli %arg1, %mul3A : i32
    %add3A = arith.addi %mul3A_0, %arg0 : i32
    %mul3A_1 = arith.constant 64 : i32
    %mul3A_2 = arith.muli %add3A, %mul3A_1 : i32
    "tpu.region"() ({
      %run_scoped3A = tpu.sem_alloc : memref<!tpu.dma_semaphore, #tpu.memory_space<semaphore_mem>>
      %dma_start3A_7 = tpu.memref_slice %arg3[%mul3A_2] : memref<2048xi32, #tpu.memory_space<hbm>> -> memref<64xi32, #tpu.memory_space<hbm>>
      %dma_start3A_8 = tpu.memref_slice %arg3[%mul3A_2] : memref<2048xi32, #tpu.memory_space<hbm>> -> memref<64xi32, #tpu.memory_space<hbm>>
      tpu.enqueue_dma source(%dma_start3A_8 : memref<64xi32, #tpu.memory_space<hbm>>) target(%arg5 : memref<64xi32, #tpu.memory_space<vmem>>) target_semaphore(%run_scoped3A : memref<!tpu.dma_semaphore, #tpu.memory_space<semaphore_mem>>)
      %dma_wait3A_9 = tpu.memref_slice %arg3[%mul3A_2] : memref<2048xi32, #tpu.memory_space<hbm>> -> memref<64xi32, #tpu.memory_space<hbm>>
      %dma_wait3A_10 = tpu.memref_slice %arg3[%mul3A_2] : memref<2048xi32, #tpu.memory_space<hbm>> -> memref<64xi32, #tpu.memory_space<hbm>>
      tpu.wait_dma2 semaphore(%run_scoped3A : memref<!tpu.dma_semaphore, #tpu.memory_space<semaphore_mem>>) src(%dma_wait3A_10 : memref<64xi32, #tpu.memory_space<hbm>>) dst(%arg5 : memref<64xi32, #tpu.memory_space<vmem>>)
      tpu.yield
    }) : () -> ()
    %dma_start3A = arith.constant 0 : i32
    %dma_start3A_3 = arith.constant 0 : i32
    %dma_start3A_4 = tpu.memref_slice %arg2[%dma_start3A, %dma_start3A_3] : memref<20000x128xf32, #tpu.memory_space<hbm>> -> memref<20000x128xf32, #tpu.memory_space<hbm>>
    tpu.enqueue_indirect_dma source(%dma_start3A_4 : memref<20000x128xf32, #tpu.memory_space<hbm>>) target(%arg6 : memref<64x128xf32, #tpu.memory_space<vmem>>) offsets(%arg5 : memref<64xi32, #tpu.memory_space<vmem>>) semaphore(%arg7 : memref<!tpu.dma_semaphore, #tpu.memory_space<semaphore_mem>>)
    %dma_wait3A = arith.constant 0 : i32
    %dma_wait3A_5 = arith.constant 0 : i32
    %dma_wait3A_6 = tpu.memref_slice %arg2[%dma_wait3A, %dma_wait3A_5] : memref<20000x128xf32, #tpu.memory_space<hbm>> -> memref<20000x128xf32, #tpu.memory_space<hbm>>
    tpu.wait_indirect_dma semaphore(%arg7 : memref<!tpu.dma_semaphore, #tpu.memory_space<semaphore_mem>>) src(%dma_wait3A_6 : memref<20000x128xf32, #tpu.memory_space<hbm>>) dst(%arg6 : memref<64x128xf32, #tpu.memory_space<vmem>>)
    "tpu.region"() ({
      %run_scoped3A = tpu.sem_alloc : memref<!tpu.dma_semaphore, #tpu.memory_space<semaphore_mem>>
      %dma_start3A_7 = arith.constant 0 : i32
      %dma_start3A_8 = tpu.memref_slice %arg4[%mul3A_2, %dma_start3A_7] : memref<2048x128xf32, #tpu.memory_space<hbm>> -> memref<64x128xf32, #tpu.memory_space<hbm>>
      %dma_start3A_9 = arith.constant 0 : i32
      %dma_start3A_10 = tpu.memref_slice %arg4[%mul3A_2, %dma_start3A_9] : memref<2048x128xf32, #tpu.memory_space<hbm>> -> memref<64x128xf32, #tpu.memory_space<hbm>>
      tpu.enqueue_dma source(%arg6 : memref<64x128xf32, #tpu.memory_space<vmem>>) target(%dma_start3A_10 : memref<64x128xf32, #tpu.memory_space<hbm>>) target_semaphore(%run_scoped3A : memref<!tpu.dma_semaphore, #tpu.memory_space<semaphore_mem>>)
      %dma_wait3A_11 = arith.constant 0 : i32
      %dma_wait3A_12 = tpu.memref_slice %arg4[%mul3A_2, %dma_wait3A_11] : memref<2048x128xf32, #tpu.memory_space<hbm>> -> memref<64x128xf32, #tpu.memory_space<hbm>>
      %dma_wait3A_13 = arith.constant 0 : i32
      %dma_wait3A_14 = tpu.memref_slice %arg4[%mul3A_2, %dma_wait3A_13] : memref<2048x128xf32, #tpu.memory_space<hbm>> -> memref<64x128xf32, #tpu.memory_space<hbm>>
      tpu.wait_dma2 semaphore(%run_scoped3A : memref<!tpu.dma_semaphore, #tpu.memory_space<semaphore_mem>>) src(%arg6 : memref<64x128xf32, #tpu.memory_space<vmem>>) dst(%dma_wait3A_14 : memref<64x128xf32, #tpu.memory_space<hbm>>)
      tpu.yield
    }) : () -> ()
    return
  }
}

module attributes {stable_mosaic.version = 14 : i64} {
  func.func @_mask_scores_kernel(%arg0: memref<2xf32, #tpu.memory_space<smem>>, %arg1: memref<4x20480xf32, #tpu.memory_space<vmem>>, %arg2: memref<1x20480xf32, #tpu.memory_space<vmem>>, %arg3: memref<1x20480xf32, #tpu.memory_space<vmem>>) attributes {dimension_semantics = [], scalar_prefetch = 0 : i64, scratch_operands = 0 : i64, tpu.core_type = #tpu.core_type<tc>} {
    %get3A = arith.constant 0 : index
    %get3A_0 = memref.load %arg0[%get3A] : memref<2xf32, #tpu.memory_space<smem>>
    %get3A_1 = arith.constant 1 : index
    %get3A_2 = memref.load %arg0[%get3A_1] : memref<2xf32, #tpu.memory_space<smem>>
    %get3A_3 = arith.constant 0 : index
    %get3A_4 = arith.constant 0 : index
    %get3A_5 = vector.load %arg1[%get3A_3, %get3A_4] : memref<4x20480xf32, #tpu.memory_space<vmem>>, vector<1x20480xf32>
    %jit3A = arith.constant 0.000000e+00 : f32
    %max3A = vector.broadcast %jit3A : f32 to vector<1x20480xf32>
    %max3A_6 = arith.maximumf %max3A, %get3A_5 : vector<1x20480xf32>
    %min3A = vector.broadcast %get3A_2 : f32 to vector<1x20480xf32>
    %min3A_7 = arith.minimumf %min3A, %max3A_6 : vector<1x20480xf32>
    %get3A_8 = arith.constant 1 : index
    %get3A_9 = arith.constant 0 : index
    %get3A_10 = vector.load %arg1[%get3A_8, %get3A_9] : memref<4x20480xf32, #tpu.memory_space<vmem>>, vector<1x20480xf32>
    %jit3A_11 = arith.constant 0.000000e+00 : f32
    %max3A_12 = vector.broadcast %jit3A_11 : f32 to vector<1x20480xf32>
    %max3A_13 = arith.maximumf %max3A_12, %get3A_10 : vector<1x20480xf32>
    %min3A_14 = vector.broadcast %get3A_0 : f32 to vector<1x20480xf32>
    %min3A_15 = arith.minimumf %min3A_14, %max3A_13 : vector<1x20480xf32>
    %get3A_16 = arith.constant 2 : index
    %get3A_17 = arith.constant 0 : index
    %get3A_18 = vector.load %arg1[%get3A_16, %get3A_17] : memref<4x20480xf32, #tpu.memory_space<vmem>>, vector<1x20480xf32>
    %jit3A_19 = arith.constant 0.000000e+00 : f32
    %max3A_20 = vector.broadcast %jit3A_19 : f32 to vector<1x20480xf32>
    %max3A_21 = arith.maximumf %max3A_20, %get3A_18 : vector<1x20480xf32>
    %min3A_22 = vector.broadcast %get3A_2 : f32 to vector<1x20480xf32>
    %min3A_23 = arith.minimumf %min3A_22, %max3A_21 : vector<1x20480xf32>
    %get3A_24 = arith.constant 3 : index
    %get3A_25 = arith.constant 0 : index
    %get3A_26 = vector.load %arg1[%get3A_24, %get3A_25] : memref<4x20480xf32, #tpu.memory_space<vmem>>, vector<1x20480xf32>
    %jit3A_27 = arith.constant 0.000000e+00 : f32
    %max3A_28 = vector.broadcast %jit3A_27 : f32 to vector<1x20480xf32>
    %max3A_29 = arith.maximumf %max3A_28, %get3A_26 : vector<1x20480xf32>
    %min3A_30 = vector.broadcast %get3A_0 : f32 to vector<1x20480xf32>
    %min3A_31 = arith.minimumf %min3A_30, %max3A_29 : vector<1x20480xf32>
    %sub3A = arith.subf %min3A_23, %min3A_7 : vector<1x20480xf32>
    %ge3A = arith.constant 1.600000e+01 : f32
    %ge3A_32 = vector.broadcast %ge3A : f32 to vector<1x20480xf32>
    %ge3A_33 = arith.cmpf oge, %sub3A, %ge3A_32 : vector<1x20480xf32>
    %sub3A_34 = arith.subf %min3A_31, %min3A_15 : vector<1x20480xf32>
    %ge3A_35 = arith.constant 1.600000e+01 : f32
    %ge3A_36 = vector.broadcast %ge3A_35 : f32 to vector<1x20480xf32>
    %ge3A_37 = arith.cmpf oge, %sub3A_34, %ge3A_36 : vector<1x20480xf32>
    %and3A = arith.andi %ge3A_33, %ge3A_37 : vector<1x20480xi1>
    %get3A_38 = arith.constant 0 : index
    %get3A_39 = arith.constant 0 : index
    %get3A_40 = vector.load %arg2[%get3A_38, %get3A_39] : memref<1x20480xf32, #tpu.memory_space<vmem>>, vector<1x20480xf32>
    %jit3A_41 = arith.constant -1.000000e+00 : f32
    %broadcast_in_dim3A = vector.broadcast %jit3A_41 : f32 to vector<1x20480xf32>
    %select_n3A = arith.select %and3A, %get3A_40, %broadcast_in_dim3A : vector<1x20480xi1>, vector<1x20480xf32>
    %swap3A = arith.constant 0 : index
    %swap3A_42 = arith.constant 0 : index
    %swap3A_43 = vector.load %arg3[%swap3A, %swap3A_42] : memref<1x20480xf32, #tpu.memory_space<vmem>>, vector<1x20480xf32>
    tpu.vector_store %arg3[%swap3A, %swap3A_42], %select_n3A {strides = array<i32>} : memref<1x20480xf32, #tpu.memory_space<vmem>>, vector<1x20480xf32>,
    return
  }
}

module attributes {stable_mosaic.version = 14 : i64} {
  func.func @_nms_kernel(%arg0: memref<2xf32, #tpu.memory_space<smem>>, %arg1: memref<2048x8xf32, #tpu.memory_space<vmem>>, %arg2: memref<8x2048xf32, #tpu.memory_space<vmem>>, %arg3: memref<1x2048xf32, #tpu.memory_space<vmem>>, %arg4: memref<1024x8xf32, #tpu.memory_space<vmem>>, %arg5: memref<2048x8xf32, #tpu.memory_space<vmem>>, %arg6: memref<2048x2048xf32, #tpu.memory_space<vmem>>) attributes {dimension_semantics = [], scalar_prefetch = 0 : i64, scratch_operands = 2 : i64, tpu.core_type = #tpu.core_type<tc>} {
    %get3A = arith.constant 0 : index
    %get3A_0 = memref.load %arg0[%get3A] : memref<2xf32, #tpu.memory_space<smem>>
    %get3A_1 = arith.constant 1 : index
    %get3A_2 = memref.load %arg0[%get3A_1] : memref<2xf32, #tpu.memory_space<smem>>
    %get3A_3 = arith.constant 0 : index
    %get3A_4 = arith.constant 0 : index
    %get3A_5 = vector.load %arg1[%get3A_3, %get3A_4] : memref<2048x8xf32, #tpu.memory_space<vmem>>, vector<2048x1xf32>
    %jit3A = arith.constant 0.000000e+00 : f32
    %max3A = vector.broadcast %jit3A : f32 to vector<2048x1xf32>
    %max3A_6 = arith.maximumf %max3A, %get3A_5 : vector<2048x1xf32>
    %min3A = vector.broadcast %get3A_2 : f32 to vector<2048x1xf32>
    %min3A_7 = arith.minimumf %min3A, %max3A_6 : vector<2048x1xf32>
    %get3A_8 = arith.constant 0 : index
    %get3A_9 = arith.constant 1 : index
    %get3A_10 = vector.load %arg1[%get3A_8, %get3A_9] : memref<2048x8xf32, #tpu.memory_space<vmem>>, vector<2048x1xf32>
    %jit3A_11 = arith.constant 0.000000e+00 : f32
    %max3A_12 = vector.broadcast %jit3A_11 : f32 to vector<2048x1xf32>
    %max3A_13 = arith.maximumf %max3A_12, %get3A_10 : vector<2048x1xf32>
    %min3A_14 = vector.broadcast %get3A_0 : f32 to vector<2048x1xf32>
    %min3A_15 = arith.minimumf %min3A_14, %max3A_13 : vector<2048x1xf32>
    %get3A_16 = arith.constant 0 : index
    %get3A_17 = arith.constant 2 : index
    %get3A_18 = vector.load %arg1[%get3A_16, %get3A_17] : memref<2048x8xf32, #tpu.memory_space<vmem>>, vector<2048x1xf32>
    %jit3A_19 = arith.constant 0.000000e+00 : f32
    %max3A_20 = vector.broadcast %jit3A_19 : f32 to vector<2048x1xf32>
    %max3A_21 = arith.maximumf %max3A_20, %get3A_18 : vector<2048x1xf32>
    %min3A_22 = vector.broadcast %get3A_2 : f32 to vector<2048x1xf32>
    %min3A_23 = arith.minimumf %min3A_22, %max3A_21 : vector<2048x1xf32>
    %get3A_24 = arith.constant 0 : index
    %get3A_25 = arith.constant 3 : index
    %get3A_26 = vector.load %arg1[%get3A_24, %get3A_25] : memref<2048x8xf32, #tpu.memory_space<vmem>>, vector<2048x1xf32>
    %jit3A_27 = arith.constant 0.000000e+00 : f32
    %max3A_28 = vector.broadcast %jit3A_27 : f32 to vector<2048x1xf32>
    %max3A_29 = arith.maximumf %max3A_28, %get3A_26 : vector<2048x1xf32>
    %min3A_30 = vector.broadcast %get3A_0 : f32 to vector<2048x1xf32>
    %min3A_31 = arith.minimumf %min3A_30, %max3A_29 : vector<2048x1xf32>
    %swap3A = arith.constant 0 : index
    %swap3A_32 = arith.constant 0 : index
    %swap3A_33 = vector.load %arg5[%swap3A, %swap3A_32] : memref<2048x8xf32, #tpu.memory_space<vmem>>, vector<2048x1xf32>
    tpu.vector_store %arg5[%swap3A, %swap3A_32], %min3A_7 {strides = array<i32>} : memref<2048x8xf32, #tpu.memory_space<vmem>>, vector<2048x1xf32>,
    %swap3A_34 = arith.constant 0 : index
    %swap3A_35 = arith.constant 1 : index
    %swap3A_36 = vector.load %arg5[%swap3A_34, %swap3A_35] : memref<2048x8xf32, #tpu.memory_space<vmem>>, vector<2048x1xf32>
    tpu.vector_store %arg5[%swap3A_34, %swap3A_35], %min3A_15 {strides = array<i32>} : memref<2048x8xf32, #tpu.memory_space<vmem>>, vector<2048x1xf32>,
    %swap3A_37 = arith.constant 0 : index
    %swap3A_38 = arith.constant 2 : index
    %swap3A_39 = vector.load %arg5[%swap3A_37, %swap3A_38] : memref<2048x8xf32, #tpu.memory_space<vmem>>, vector<2048x1xf32>
    tpu.vector_store %arg5[%swap3A_37, %swap3A_38], %min3A_23 {strides = array<i32>} : memref<2048x8xf32, #tpu.memory_space<vmem>>, vector<2048x1xf32>,
    %swap3A_40 = arith.constant 0 : index
    %swap3A_41 = arith.constant 3 : index
    %swap3A_42 = vector.load %arg5[%swap3A_40, %swap3A_41] : memref<2048x8xf32, #tpu.memory_space<vmem>>, vector<2048x1xf32>
    tpu.vector_store %arg5[%swap3A_40, %swap3A_41], %min3A_31 {strides = array<i32>} : memref<2048x8xf32, #tpu.memory_space<vmem>>, vector<2048x1xf32>,
    %get3A_43 = arith.constant 0 : index
    %get3A_44 = arith.constant 4 : index
    %get3A_45 = vector.load %arg1[%get3A_43, %get3A_44] : memref<2048x8xf32, #tpu.memory_space<vmem>>, vector<2048x1xf32>
    %swap3A_46 = arith.constant 0 : index
    %swap3A_47 = arith.constant 4 : index
    %swap3A_48 = vector.load %arg5[%swap3A_46, %swap3A_47] : memref<2048x8xf32, #tpu.memory_space<vmem>>, vector<2048x1xf32>
    tpu.vector_store %arg5[%swap3A_46, %swap3A_47], %get3A_45 {strides = array<i32>} : memref<2048x8xf32, #tpu.memory_space<vmem>>, vector<2048x1xf32>,
    %sub3A = arith.subf %min3A_23, %min3A_7 : vector<2048x1xf32>
    %sub3A_49 = arith.subf %min3A_31, %min3A_15 : vector<2048x1xf32>
    %mul3A = arith.mulf %sub3A, %sub3A_49 : vector<2048x1xf32>
    %swap3A_50 = arith.constant 0 : index
    %swap3A_51 = arith.constant 5 : index
    %swap3A_52 = vector.load %arg5[%swap3A_50, %swap3A_51] : memref<2048x8xf32, #tpu.memory_space<vmem>>, vector<2048x1xf32>
    tpu.vector_store %arg5[%swap3A_50, %swap3A_51], %mul3A {strides = array<i32>} : memref<2048x8xf32, #tpu.memory_space<vmem>>, vector<2048x1xf32>,
    %broadcast_in_dim3A = arith.constant 0.000000e+00 : f32
    %broadcast_in_dim3A_53 = vector.broadcast %broadcast_in_dim3A : f32 to vector<2048x2xf32>
    %swap3A_54 = arith.constant 0 : index
    %swap3A_55 = arith.constant 6 : index
    %swap3A_56 = vector.load %arg5[%swap3A_54, %swap3A_55] : memref<2048x8xf32, #tpu.memory_space<vmem>>, vector<2048x2xf32>
    tpu.vector_store %arg5[%swap3A_54, %swap3A_55], %broadcast_in_dim3A_53 {strides = array<i32>} : memref<2048x8xf32, #tpu.memory_space<vmem>>, vector<2048x2xf32>,
    %get3A_57 = arith.constant 0 : index
    %get3A_58 = arith.constant 0 : index
    %get3A_59 = vector.load %arg2[%get3A_57, %get3A_58] : memref<8x2048xf32, #tpu.memory_space<vmem>>, vector<1x2048xf32>
    %jit3A_60 = arith.constant 0.000000e+00 : f32
    %max3A_61 = vector.broadcast %jit3A_60 : f32 to vector<1x2048xf32>
    %max3A_62 = arith.maximumf %max3A_61, %get3A_59 : vector<1x2048xf32>
    %min3A_63 = vector.broadcast %get3A_2 : f32 to vector<1x2048xf32>
    %min3A_64 = arith.minimumf %min3A_63, %max3A_62 : vector<1x2048xf32>
    %get3A_65 = arith.constant 1 : index
    %get3A_66 = arith.constant 0 : index
    %get3A_67 = vector.load %arg2[%get3A_65, %get3A_66] : memref<8x2048xf32, #tpu.memory_space<vmem>>, vector<1x2048xf32>
    %jit3A_68 = arith.constant 0.000000e+00 : f32
    %max3A_69 = vector.broadcast %jit3A_68 : f32 to vector<1x2048xf32>
    %max3A_70 = arith.maximumf %max3A_69, %get3A_67 : vector<1x2048xf32>
    %min3A_71 = vector.broadcast %get3A_0 : f32 to vector<1x2048xf32>
    %min3A_72 = arith.minimumf %min3A_71, %max3A_70 : vector<1x2048xf32>
    %get3A_73 = arith.constant 2 : index
    %get3A_74 = arith.constant 0 : index
    %get3A_75 = vector.load %arg2[%get3A_73, %get3A_74] : memref<8x2048xf32, #tpu.memory_space<vmem>>, vector<1x2048xf32>
    %jit3A_76 = arith.constant 0.000000e+00 : f32
    %max3A_77 = vector.broadcast %jit3A_76 : f32 to vector<1x2048xf32>
    %max3A_78 = arith.maximumf %max3A_77, %get3A_75 : vector<1x2048xf32>
    %min3A_79 = vector.broadcast %get3A_2 : f32 to vector<1x2048xf32>
    %min3A_80 = arith.minimumf %min3A_79, %max3A_78 : vector<1x2048xf32>
    %get3A_81 = arith.constant 3 : index
    %get3A_82 = arith.constant 0 : index
    %get3A_83 = vector.load %arg2[%get3A_81, %get3A_82] : memref<8x2048xf32, #tpu.memory_space<vmem>>, vector<1x2048xf32>
    %jit3A_84 = arith.constant 0.000000e+00 : f32
    %max3A_85 = vector.broadcast %jit3A_84 : f32 to vector<1x2048xf32>
    %max3A_86 = arith.maximumf %max3A_85, %get3A_83 : vector<1x2048xf32>
    %min3A_87 = vector.broadcast %get3A_0 : f32 to vector<1x2048xf32>
    %min3A_88 = arith.minimumf %min3A_87, %max3A_86 : vector<1x2048xf32>
    %sub3A_89 = arith.subf %min3A_80, %min3A_64 : vector<1x2048xf32>
    %sub3A_90 = arith.subf %min3A_88, %min3A_72 : vector<1x2048xf32>
    %mul3A_91 = arith.mulf %sub3A_89, %sub3A_90 : vector<1x2048xf32>
    %iota3A = tpu.iota {dimensions = array<i32: 1>} : vector<256x2048xi32>
    %iota3A_92 = tpu.iota {dimensions = array<i32: 0>} : vector<256x2048xi32>
    %scan3A = arith.constant 0 : i32
    %scan3A_93 = arith.constant 8 : i32
    %scan3A_94 = arith.addi %scan3A, %scan3A_93 : i32
    %scan3A_95 = arith.constant 1 : i32
    scf.for %scan3A_179 = %scan3A to %scan3A_94 step %scan3A_95  : i32 {
      %mul3A_180 = arith.constant 256 : i32
      %mul3A_181 = arith.muli %scan3A_179, %mul3A_180 : i32
      %get3A_182 = arith.index_cast %mul3A_181 : i32 to index
      %get3A_183 = arith.constant 0 : index
      %get3A_184 = vector.load %arg5[%get3A_182, %get3A_183] : memref<2048x8xf32, #tpu.memory_space<vmem>>, vector<256x1xf32>
      %get3A_185 = arith.index_cast %mul3A_181 : i32 to index
      %get3A_186 = arith.constant 1 : index
      %get3A_187 = vector.load %arg5[%get3A_185, %get3A_186] : memref<2048x8xf32, #tpu.memory_space<vmem>>, vector<256x1xf32>
      %get3A_188 = arith.index_cast %mul3A_181 : i32 to index
      %get3A_189 = arith.constant 2 : index
      %get3A_190 = vector.load %arg5[%get3A_188, %get3A_189] : memref<2048x8xf32, #tpu.memory_space<vmem>>, vector<256x1xf32>
      %get3A_191 = arith.index_cast %mul3A_181 : i32 to index
      %get3A_192 = arith.constant 3 : index
      %get3A_193 = vector.load %arg5[%get3A_191, %get3A_192] : memref<2048x8xf32, #tpu.memory_space<vmem>>, vector<256x1xf32>
      %get3A_194 = arith.index_cast %mul3A_181 : i32 to index
      %get3A_195 = arith.constant 5 : index
      %get3A_196 = vector.load %arg5[%get3A_194, %get3A_195] : memref<2048x8xf32, #tpu.memory_space<vmem>>, vector<256x1xf32>
      %max3A_197 = vector.broadcast %get3A_184 : vector<256x1xf32> to vector<256x2048xf32>
      %max3A_198 = vector.broadcast %min3A_64 : vector<1x2048xf32> to vector<256x2048xf32>
      %max3A_199 = arith.maximumf %max3A_197, %max3A_198 : vector<256x2048xf32>
      %max3A_200 = vector.broadcast %get3A_187 : vector<256x1xf32> to vector<256x2048xf32>
      %max3A_201 = vector.broadcast %min3A_72 : vector<1x2048xf32> to vector<256x2048xf32>
      %max3A_202 = arith.maximumf %max3A_200, %max3A_201 : vector<256x2048xf32>
      %min3A_203 = vector.broadcast %get3A_190 : vector<256x1xf32> to vector<256x2048xf32>
      %min3A_204 = vector.broadcast %min3A_80 : vector<1x2048xf32> to vector<256x2048xf32>
      %min3A_205 = arith.minimumf %min3A_203, %min3A_204 : vector<256x2048xf32>
      %min3A_206 = vector.broadcast %get3A_193 : vector<256x1xf32> to vector<256x2048xf32>
      %min3A_207 = vector.broadcast %min3A_88 : vector<1x2048xf32> to vector<256x2048xf32>
      %min3A_208 = arith.minimumf %min3A_206, %min3A_207 : vector<256x2048xf32>
      %sub3A_209 = arith.subf %min3A_205, %max3A_199 : vector<256x2048xf32>
      %max3A_210 = arith.constant 0.000000e+00 : f32
      %max3A_211 = vector.broadcast %max3A_210 : f32 to vector<256x2048xf32>
      %max3A_212 = arith.maximumf %sub3A_209, %max3A_211 : vector<256x2048xf32>
      %sub3A_213 = arith.subf %min3A_208, %max3A_202 : vector<256x2048xf32>
      %max3A_214 = arith.constant 0.000000e+00 : f32
      %max3A_215 = vector.broadcast %max3A_214 : f32 to vector<256x2048xf32>
      %max3A_216 = arith.maximumf %sub3A_213, %max3A_215 : vector<256x2048xf32>
      %mul3A_217 = arith.mulf %max3A_212, %max3A_216 : vector<256x2048xf32>
      %add3A_218 = vector.broadcast %get3A_196 : vector<256x1xf32> to vector<256x2048xf32>
      %add3A_219 = vector.broadcast %mul3A_91 : vector<1x2048xf32> to vector<256x2048xf32>
      %add3A_220 = arith.addf %add3A_218, %add3A_219 : vector<256x2048xf32>
      %sub3A_221 = arith.subf %add3A_220, %mul3A_217 : vector<256x2048xf32>
      %add3A_222 = arith.constant 9.99999997E-7 : f32
      %add3A_223 = vector.broadcast %add3A_222 : f32 to vector<256x2048xf32>
      %add3A_224 = arith.addf %sub3A_221, %add3A_223 : vector<256x2048xf32>
      %div3A = arith.divf %mul3A_217, %add3A_224 : vector<256x2048xf32>
      %add3A_225 = vector.broadcast %mul3A_181 : i32 to vector<256x2048xi32>
      %add3A_226 = arith.addi %iota3A_92, %add3A_225 : vector<256x2048xi32>
      %gt3A_227 = arith.cmpi sgt, %iota3A, %add3A_226 : vector<256x2048xi32>
      %gt3A_228 = arith.constant 0.699999988 : f32
      %gt3A_229 = vector.broadcast %gt3A_228 : f32 to vector<256x2048xf32>
      %gt3A_230 = arith.cmpf ogt, %div3A, %gt3A_229 : vector<256x2048xf32>
      %and3A_231 = arith.andi %gt3A_230, %gt3A_227 : vector<256x2048xi1>
      %convert_element_type3A_232 = arith.extui %and3A_231 : vector<256x2048xi1> to vector<256x2048xi32>
      %convert_element_type3A_233 = arith.sitofp %convert_element_type3A_232 : vector<256x2048xi32> to vector<256x2048xf32>
      %swap3A_234 = arith.index_cast %mul3A_181 : i32 to index
      %swap3A_235 = arith.constant 0 : index
      %swap3A_236 = vector.load %arg6[%swap3A_234, %swap3A_235] : memref<2048x2048xf32, #tpu.memory_space<vmem>>, vector<256x2048xf32>
      tpu.vector_store %arg6[%swap3A_234, %swap3A_235], %convert_element_type3A_233 {strides = array<i32>} : memref<2048x2048xf32, #tpu.memory_space<vmem>>, vector<256x2048xf32>,
    }
    %scan3A_96 = arith.constant 8 : i32
    %get3A_97 = arith.constant 0 : index
    %get3A_98 = arith.constant 0 : index
    %get3A_99 = vector.load %arg3[%get3A_97, %get3A_98] : memref<1x2048xf32, #tpu.memory_space<vmem>>, vector<1x2048xf32>
    %le3A = arith.constant -5.000000e-01 : f32
    %le3A_100 = vector.broadcast %le3A : f32 to vector<1x2048xf32>
    %le3A_101 = arith.cmpf ole, %get3A_99, %le3A_100 : vector<1x2048xf32>
    %convert_element_type3A = arith.extui %le3A_101 : vector<1x2048xi1> to vector<1x2048xi32>
    %convert_element_type3A_102 = arith.sitofp %convert_element_type3A : vector<1x2048xi32> to vector<1x2048xf32>
    %while3A = arith.constant true
    %while3A_103:2 = scf.while (%while3A_179 = %convert_element_type3A_102, %while3A_180 = %while3A) : (vector<1x2048xf32>, i1) -> (vector<1x2048xf32>, i1) {
      scf.condition(%while3A_180) %while3A_179, %while3A_180 : vector<1x2048xf32>, i1
    } do {
    ^bb0(%while3A_179: vector<1x2048xf32>, %while3A_180: i1):
      %sub3A_181 = arith.constant 1.000000e+00 : f32
      %sub3A_182 = vector.broadcast %sub3A_181 : f32 to vector<1x2048xf32>
      %sub3A_183 = arith.subf %sub3A_182, %while3A_179 : vector<1x2048xf32>
      %get3A_184 = arith.constant 0 : index
      %get3A_185 = arith.constant 0 : index
      %get3A_186 = vector.load %arg6[%get3A_184, %get3A_185] : memref<2048x2048xf32, #tpu.memory_space<vmem>>, vector<2048x2048xf32>
      %dot_general3A_187 = arith.constant dense<0.000000e+00> : vector<1x2048xf32>
      %dot_general3A_188 = tpu.matmul %sub3A_183, %get3A_186, %dot_general3A_187 {dimension_numbers = #tpu.dot_dimension_numbers<[1], [0], [0], [1], [0, 0, 1, 1], [], []>, transpose_lhs_hint = false} : vector<1x2048xf32>, vector<2048x2048xf32>, vector<1x2048xf32> -> vector<1x2048xf32>
      %gt3A_189 = arith.constant 0.000000e+00 : f32
      %gt3A_190 = vector.broadcast %gt3A_189 : f32 to vector<1x2048xf32>
      %gt3A_191 = arith.cmpf ogt, %dot_general3A_188, %gt3A_190 : vector<1x2048xf32>
      %convert_element_type3A_192 = arith.extui %gt3A_191 : vector<1x2048xi1> to vector<1x2048xi32>
      %convert_element_type3A_193 = arith.sitofp %convert_element_type3A_192 : vector<1x2048xi32> to vector<1x2048xf32>
      %max3A_194 = arith.maximumf %convert_element_type3A_102, %convert_element_type3A_193 : vector<1x2048xf32>
      %ne3A = arith.cmpf one, %max3A_194, %while3A_179 : vector<1x2048xf32>
      %reduce_or3A = arith.constant 1.000000e+00 : f32
      %reduce_or3A_195 = arith.constant 0.000000e+00 : f32
      %reduce_or3A_196 = vector.broadcast %reduce_or3A : f32 to vector<1x2048xf32>
      %reduce_or3A_197 = vector.broadcast %reduce_or3A_195 : f32 to vector<1x2048xf32>
      %reduce_or3A_198 = arith.select %ne3A, %reduce_or3A_196, %reduce_or3A_197 : vector<1x2048xi1>, vector<1x2048xf32>
      %reduce_or3A_199 = vector.shape_cast %reduce_or3A_198 : vector<1x2048xf32> to vector<1x1x2048xf32>
      %reduce_or3A_200 = arith.constant dense<0xFF800000> : vector<1xf32>
      %reduce_or3A_201 = vector.multi_reduction <maximumf>, %reduce_or3A_199, %reduce_or3A_200 [1, 2] : vector<1x1x2048xf32> to vector<1xf32>
      %reduce_or3A_202 = vector.shape_cast %reduce_or3A_201 : vector<1xf32> to vector<1x1x1xf32>
      %reduce_or3A_203 = vector.extract %reduce_or3A_202[0, 0, 0] : f32 from vector<1x1x1xf32>
      %reduce_or3A_204 = arith.constant 0.000000e+00 : f32
      %reduce_or3A_205 = arith.cmpf ogt, %reduce_or3A_203, %reduce_or3A_204 : f32
      scf.yield %max3A_194, %reduce_or3A_205 : vector<1x2048xf32>, i1
    }
    %sub3A_104 = arith.constant 1.000000e+00 : f32
    %sub3A_105 = vector.broadcast %sub3A_104 : f32 to vector<1x2048xf32>
    %sub3A_106 = arith.subf %sub3A_105, %while3A_103#0 : vector<1x2048xf32>
    %broadcast_in_dim3A_107 = arith.constant 0.000000e+00 : f32
    %broadcast_in_dim3A_108 = vector.broadcast %broadcast_in_dim3A_107 : f32 to vector<1x1xf32>
    %slice3A = vector.extract_strided_slice %sub3A_106 {offsets = [0, 0], sizes = [1, 2047], strides = [1, 1]} : vector<1x2048xf32> to vector<1x2047xf32>
    %concatenate3A = tpu.concatenate %broadcast_in_dim3A_108, %slice3A in 1 : vector<1x1xf32>, vector<1x2047xf32> -> vector<1x2048xf32>
    %add3A = arith.addf %sub3A_106, %concatenate3A : vector<1x2048xf32>
    %broadcast_in_dim3A_109 = arith.constant 0.000000e+00 : f32
    %broadcast_in_dim3A_110 = vector.broadcast %broadcast_in_dim3A_109 : f32 to vector<1x2xf32>
    %slice3A_111 = vector.extract_strided_slice %add3A {offsets = [0, 0], sizes = [1, 2046], strides = [1, 1]} : vector<1x2048xf32> to vector<1x2046xf32>
    %concatenate3A_112 = tpu.concatenate %broadcast_in_dim3A_110, %slice3A_111 in 1 : vector<1x2xf32>, vector<1x2046xf32> -> vector<1x2048xf32>
    %add3A_113 = arith.addf %add3A, %concatenate3A_112 : vector<1x2048xf32>
    %broadcast_in_dim3A_114 = arith.constant 0.000000e+00 : f32
    %broadcast_in_dim3A_115 = vector.broadcast %broadcast_in_dim3A_114 : f32 to vector<1x4xf32>
    %slice3A_116 = vector.extract_strided_slice %add3A_113 {offsets = [0, 0], sizes = [1, 2044], strides = [1, 1]} : vector<1x2048xf32> to vector<1x2044xf32>
    %concatenate3A_117 = tpu.concatenate %broadcast_in_dim3A_115, %slice3A_116 in 1 : vector<1x4xf32>, vector<1x2044xf32> -> vector<1x2048xf32>
    %add3A_118 = arith.addf %add3A_113, %concatenate3A_117 : vector<1x2048xf32>
    %broadcast_in_dim3A_119 = arith.constant 0.000000e+00 : f32
    %broadcast_in_dim3A_120 = vector.broadcast %broadcast_in_dim3A_119 : f32 to vector<1x8xf32>
    %slice3A_121 = vector.extract_strided_slice %add3A_118 {offsets = [0, 0], sizes = [1, 2040], strides = [1, 1]} : vector<1x2048xf32> to vector<1x2040xf32>
    %concatenate3A_122 = tpu.concatenate %broadcast_in_dim3A_120, %slice3A_121 in 1 : vector<1x8xf32>, vector<1x2040xf32> -> vector<1x2048xf32>
    %add3A_123 = arith.addf %add3A_118, %concatenate3A_122 : vector<1x2048xf32>
    %broadcast_in_dim3A_124 = arith.constant 0.000000e+00 : f32
    %broadcast_in_dim3A_125 = vector.broadcast %broadcast_in_dim3A_124 : f32 to vector<1x16xf32>
    %slice3A_126 = vector.extract_strided_slice %add3A_123 {offsets = [0, 0], sizes = [1, 2032], strides = [1, 1]} : vector<1x2048xf32> to vector<1x2032xf32>
    %concatenate3A_127 = tpu.concatenate %broadcast_in_dim3A_125, %slice3A_126 in 1 : vector<1x16xf32>, vector<1x2032xf32> -> vector<1x2048xf32>
    %add3A_128 = arith.addf %add3A_123, %concatenate3A_127 : vector<1x2048xf32>
    %broadcast_in_dim3A_129 = arith.constant 0.000000e+00 : f32
    %broadcast_in_dim3A_130 = vector.broadcast %broadcast_in_dim3A_129 : f32 to vector<1x32xf32>
    %slice3A_131 = vector.extract_strided_slice %add3A_128 {offsets = [0, 0], sizes = [1, 2016], strides = [1, 1]} : vector<1x2048xf32> to vector<1x2016xf32>
    %concatenate3A_132 = tpu.concatenate %broadcast_in_dim3A_130, %slice3A_131 in 1 : vector<1x32xf32>, vector<1x2016xf32> -> vector<1x2048xf32>
    %add3A_133 = arith.addf %add3A_128, %concatenate3A_132 : vector<1x2048xf32>
    %broadcast_in_dim3A_134 = arith.constant 0.000000e+00 : f32
    %broadcast_in_dim3A_135 = vector.broadcast %broadcast_in_dim3A_134 : f32 to vector<1x64xf32>
    %slice3A_136 = vector.extract_strided_slice %add3A_133 {offsets = [0, 0], sizes = [1, 1984], strides = [1, 1]} : vector<1x2048xf32> to vector<1x1984xf32>
    %concatenate3A_137 = tpu.concatenate %broadcast_in_dim3A_135, %slice3A_136 in 1 : vector<1x64xf32>, vector<1x1984xf32> -> vector<1x2048xf32>
    %add3A_138 = arith.addf %add3A_133, %concatenate3A_137 : vector<1x2048xf32>
    %broadcast_in_dim3A_139 = arith.constant 0.000000e+00 : f32
    %broadcast_in_dim3A_140 = vector.broadcast %broadcast_in_dim3A_139 : f32 to vector<1x128xf32>
    %slice3A_141 = vector.extract_strided_slice %add3A_138 {offsets = [0, 0], sizes = [1, 1920], strides = [1, 1]} : vector<1x2048xf32> to vector<1x1920xf32>
    %concatenate3A_142 = tpu.concatenate %broadcast_in_dim3A_140, %slice3A_141 in 1 : vector<1x128xf32>, vector<1x1920xf32> -> vector<1x2048xf32>
    %add3A_143 = arith.addf %add3A_138, %concatenate3A_142 : vector<1x2048xf32>
    %broadcast_in_dim3A_144 = arith.constant 0.000000e+00 : f32
    %broadcast_in_dim3A_145 = vector.broadcast %broadcast_in_dim3A_144 : f32 to vector<1x256xf32>
    %slice3A_146 = vector.extract_strided_slice %add3A_143 {offsets = [0, 0], sizes = [1, 1792], strides = [1, 1]} : vector<1x2048xf32> to vector<1x1792xf32>
    %concatenate3A_147 = tpu.concatenate %broadcast_in_dim3A_145, %slice3A_146 in 1 : vector<1x256xf32>, vector<1x1792xf32> -> vector<1x2048xf32>
    %add3A_148 = arith.addf %add3A_143, %concatenate3A_147 : vector<1x2048xf32>
    %broadcast_in_dim3A_149 = arith.constant 0.000000e+00 : f32
    %broadcast_in_dim3A_150 = vector.broadcast %broadcast_in_dim3A_149 : f32 to vector<1x512xf32>
    %slice3A_151 = vector.extract_strided_slice %add3A_148 {offsets = [0, 0], sizes = [1, 1536], strides = [1, 1]} : vector<1x2048xf32> to vector<1x1536xf32>
    %concatenate3A_152 = tpu.concatenate %broadcast_in_dim3A_150, %slice3A_151 in 1 : vector<1x512xf32>, vector<1x1536xf32> -> vector<1x2048xf32>
    %add3A_153 = arith.addf %add3A_148, %concatenate3A_152 : vector<1x2048xf32>
    %broadcast_in_dim3A_154 = arith.constant 0.000000e+00 : f32
    %broadcast_in_dim3A_155 = vector.broadcast %broadcast_in_dim3A_154 : f32 to vector<1x1024xf32>
    %slice3A_156 = vector.extract_strided_slice %add3A_153 {offsets = [0, 0], sizes = [1, 1024], strides = [1, 1]} : vector<1x2048xf32> to vector<1x1024xf32>
    %concatenate3A_157 = tpu.concatenate %broadcast_in_dim3A_155, %slice3A_156 in 1 : vector<1x1024xf32>, vector<1x1024xf32> -> vector<1x2048xf32>
    %add3A_158 = arith.addf %add3A_153, %concatenate3A_157 : vector<1x2048xf32>
    %iota3A_159 = tpu.iota {dimensions = array<i32: 0>} : vector<1024x2048xi32>
    %add3A_160 = arith.constant 1 : i32
    %add3A_161 = vector.broadcast %add3A_160 : i32 to vector<1024x2048xi32>
    %add3A_162 = arith.addi %iota3A_159, %add3A_161 : vector<1024x2048xi32>
    %convert_element_type3A_163 = arith.fptosi %add3A_158 : vector<1x2048xf32> to vector<1x2048xi32>
    %eq3A = vector.broadcast %convert_element_type3A_163 : vector<1x2048xi32> to vector<1024x2048xi32>
    %eq3A_164 = arith.cmpi eq, %add3A_162, %eq3A : vector<1024x2048xi32>
    %gt3A = arith.constant 0.000000e+00 : f32
    %gt3A_165 = vector.broadcast %gt3A : f32 to vector<1x2048xf32>
    %gt3A_166 = arith.cmpf ogt, %sub3A_106, %gt3A_165 : vector<1x2048xf32>
    %and3A = vector.broadcast %gt3A_166 : vector<1x2048xi1> to vector<1024x2048xi1>
    %and3A_167 = arith.andi %eq3A_164, %and3A : vector<1024x2048xi1>
    %jit3A_168 = arith.constant 1.000000e+00 : f32
    %jit3A_169 = arith.constant 0.000000e+00 : f32
    %broadcast_in_dim3A_170 = vector.broadcast %jit3A_168 : f32 to vector<1024x2048xf32>
    %broadcast_in_dim3A_171 = vector.broadcast %jit3A_169 : f32 to vector<1024x2048xf32>
    %select_n3A = arith.select %and3A_167, %broadcast_in_dim3A_170, %broadcast_in_dim3A_171 : vector<1024x2048xi1>, vector<1024x2048xf32>
    %get3A_172 = arith.constant 0 : index
    %get3A_173 = arith.constant 0 : index
    %get3A_174 = vector.load %arg5[%get3A_172, %get3A_173] : memref<2048x8xf32, #tpu.memory_space<vmem>>, vector<2048x8xf32>
    %dot_general3A = arith.constant dense<0.000000e+00> : vector<1024x8xf32>
    %dot_general3A_175 = tpu.matmul %select_n3A, %get3A_174, %dot_general3A {dimension_numbers = #tpu.dot_dimension_numbers<[1], [0], [0], [1], [0, 0, 1, 1], [], []>, transpose_lhs_hint = false} : vector<1024x2048xf32>, vector<2048x8xf32>, vector<1024x8xf32> -> vector<1024x8xf32>
    %swap3A_176 = arith.constant 0 : index
    %swap3A_177 = arith.constant 0 : index
    %swap3A_178 = vector.load %arg4[%swap3A_176, %swap3A_177] : memref<1024x8xf32, #tpu.memory_space<vmem>>, vector<1024x8xf32>
    tpu.vector_store %arg4[%swap3A_176, %swap3A_177], %dot_general3A_175 {strides = array<i32>} : memref<1024x8xf32, #tpu.memory_space<vmem>>, vector<1024x8xf32>,
    return
  }
}

</mosaic_0001>

<sc_bundles>
// kernel: kernel.5.cloned.1.call-start
scs
__scs_entry_jumppad:
0x0: {  	(pc) =	sbr.rel $0x88, $3  }
0x1: {  	(tag) =	ssettag $0x0;
	lr =	simm.s32 $0x1  }
0x2: {  	[smem:$0x3F9D] =	sst lr;
	_ =	strace $0xD0000000  }
0x3: {  	_ = 	snop  }
0x4: {  	_ = 	snop  }
0x5: {  	_ = 	snop  }
0x6: {  	_ = 	snop  }
0x7: {  	_ = 	snop  }
__scs_overlays_trampoline_lowered:
0x8: {  	[smem:$0x3FAC] =	sst s0  }
0x9: {  	[smem:$0x3FAD] =	sst s1  }
0xa: {  	[smem:$0x3FAE] =	sst s2  }
0xb: {  	[smem:$0x3FAF] =	sst s3  }
0xc: {  	[smem:$0x3FB0] =	sst s4  }
0xd: {  	[smem:$0x3FB1] =	sst s5  }
0xe: {  	[smem:$0x3FB2] =	sst s6  }
0xf: {  	[smem:$0x3FB3] =	sst s7  }
0x10: {  	[smem:$0x3FB4] =	sst s8  }
0x11: {  	[smem:$0x3FB5] =	sst s9;
	s0 =	simm.s32 @!p0 $0x0  }
0x12: {  	s1 =	sld [smem:$0x3F9B];
	s0 =	simm.s32 @p0 $0x1  }
0x13: {  	[smem:$0x3FB6] =	sst s0;
	s0 =	simm.s32 @!p1 $0x0  }
0x14: {  	s2 =	sld [smem:$0x3F9A];
	s0 =	simm.s32 @p1 $0x1  }
0x15: {  	[smem:$0x3FB7] =	sst s0;
	s0 =	simm.s32 @!p2 $0x0  }
0x16: {  	s3 =	sld [smem:$0x3FDB];
	s0 =	simm.s32 @p2 $0x1  }
0x17: {  	s4 =	simm.s32 $0x1BF5;
	[smem:$0x3FB9] =	sst s0  }
0x18: {  	s0 =	sld [smem:$0x3F9C];
	_ =	swait.ge [sflag:s4], $0x0  }
0x19: {  	s7 =	sld [smem:$0x3F9D]  }
0x1a: {  	s8 =	sadd.s32 $0xFFFFE003, lr  }
0x1b: {  	s9 =	sadd.s32 $0xFFFFFEF7, lr;
	s5 =	simm.s32 $0xFFFFFFFF;
	p2 =	slt.u32 s8, $0xFFFFF086  }
0x1c: {  	p1 =	slt.u32 s9, $0xF7A;
	s5 =	simm.s32 @!p2 $0x0  }
0x1d: {  	s5 =	simm.s32 @p1 $0x1;
	p0 =	seq.s32 s7, s2  }
0x1e: {  	s7 =	smul.u32 @!p0 $0xF7A, s2;
	p2 =	seq.s32 @!p0 s5, $0x0  }
0x1f: {  	s9 =	smul.u32 $0xF7A, s1;
	s8 =	simm.s32 @!p0 $0x1BF5;
	p2 =	por !p2, p0  }
0x20: {  	[sflag:s8] =	ssyncset.s32 @!p0 $0xFFFFF086;
	s6 =	sadd.s32 @!p0 s3, s7;
	s7 =	simm.s32 @!p0 $0x108  }
0x21: {  	s3 =	sadd.s32 s3, s9;
	s6 =	sadd.s32 @!p0 $0x88, s6;
	s7 =	simm.s32 @p2 $0x1082  }
0x22: {  	[simem:s7], [sflag:s8] =	dma.local @!p0 [hbm:s6], $0xF7A  }
0x23: {  	s9 =	sor.u32 $0xD0000000, s2;
	s6 =	simm.s32 $0x108;
	_ =	swait.ge @!p0 [sflag:s8], $0x0  }
0x24: {  	s3 =	sadd.s32 $0x88, s3;
	s6 =	simm.s32 @!p1 $0x1082;
	[sflag:s4] =	ssyncset.s32 $0xFFFFF086  }
0x25: {  	[simem:s6], [sflag:s4] =	dma.local [hbm:s3], $0xF7A  }
0x26: {  	[smem:$0x3F9D] =	sst s1;
	(tag) =	ssettag s2;
	_ =	strace s9  }
0x27: {  	s1 =	sld [smem:$0x3FAD]  }
0x28: {  	s2 =	sld [smem:$0x3FAE]  }
0x29: {  	s4 =	sld [smem:$0x3FB0]  }
0x2a: {  	p0 =	seq.s32 s5, $0x0;
	s5 =	sld [smem:$0x3FB1]  }
0x2b: {  	s6 =	sld [smem:$0x3FB2]  }
0x2c: {  	s7 =	sld [smem:$0x3FB3]  }
0x2d: {  	s3 =	simm.s32 $0x108;
	s8 =	sld [smem:$0x3FB4]  }
0x2e: {  	s3 =	simm.s32 @!p0 $0x1082;
	s9 =	sld [smem:$0x3FB5]  }
0x2f: {  	lr =	sadd.s32 s0, s3;
	s0 =	sld [smem:$0x3FAC]  }
0x30: {  	s3 =	sld [smem:$0x3FAF]  }
0x31: {  	[smem:$0x3FB8] =	sst s10  }
0x32: {  	s10 =	sld [smem:$0x3FB6];
	_ =	sdelay $0x3  }
0x33: {  	p0 =	seq.s32 s10, $0x1;
	s10 =	sld [smem:$0x3FB8];
	_ =	sdelay $0x3  }
0x34: {  	[smem:$0x3FB8] =	sst s10  }
0x35: {  	s10 =	sld [smem:$0x3FB7];
	_ =	sdelay $0x3  }
0x36: {  	p1 =	seq.s32 s10, $0x1;
	s10 =	sld [smem:$0x3FB8];
	_ =	sdelay $0x3  }
0x37: {  	[smem:$0x3FB8] =	sst s10  }
0x38: {  	s10 =	sld [smem:$0x3FB9]  }
0x39: {  	_ = 	snop;
	(pc) =	sbr.ind lr, $3  }
0x3a: {  	_ = 	snop  }
0x3b: {  	_ = 	snop  }
0x3c: {  	p2 =	seq.s32 s10, $0x1;
	s10 =	sld [smem:$0x3FB8]  }
0x3d: {  	_ =	shalt  }
0x3e: {  	_ =	shalt  }
0x3f: {  	_ =	shalt  }
0x40: {  	_ =	shalt  }
0x41: {  	_ =	shalt  }
0x42: {  	_ =	shalt  }
0x43: {  	_ =	shalt  }
0x44: {  	_ =	shalt  }
0x45: {  	_ =	shalt  }
0x46: {  	_ =	shalt  }
0x47: {  	_ =	shalt  }
0x48: {  	_ =	shalt  }
0x49: {  	_ =	shalt  }
0x4a: {  	_ =	shalt  }
0x4b: {  	_ =	shalt  }
0x4c: {  	_ =	shalt  }
0x4d: {  	_ =	shalt  }
0x4e: {  	_ =	shalt  }
0x4f: {  	_ =	shalt  }
0x50: {  	_ =	shalt  }
0x51: {  	_ =	shalt  }
0x52: {  	_ =	shalt  }
0x53: {  	_ =	shalt  }
0x54: {  	_ =	shalt  }
0x55: {  	_ =	shalt  }
0x56: {  	_ =	shalt  }
0x57: {  	_ =	shalt  }
0x58: {  	_ =	shalt  }
0x59: {  	_ =	shalt  }
0x5a: {  	_ =	shalt  }
0x5b: {  	_ =	shalt  }
0x5c: {  	_ =	shalt  }
0x5d: {  	_ =	shalt  }
0x5e: {  	_ =	shalt  }
0x5f: {  	_ =	shalt  }
0x60: {  	_ =	shalt  }
0x61: {  	_ =	shalt  }
0x62: {  	_ =	shalt  }
0x63: {  	_ =	shalt  }
0x64: {  	_ =	shalt  }
0x65: {  	_ =	shalt  }
0x66: {  	_ =	shalt  }
0x67: {  	_ =	shalt  }
0x68: {  	_ =	shalt  }
0x69: {  	_ =	shalt  }
0x6a: {  	_ =	shalt  }
0x6b: {  	_ =	shalt  }
0x6c: {  	_ =	shalt  }
0x6d: {  	_ =	shalt  }
0x6e: {  	_ =	shalt  }
0x6f: {  	_ =	shalt  }
0x70: {  	_ =	shalt  }
0x71: {  	_ =	shalt  }
0x72: {  	_ =	shalt  }
0x73: {  	_ =	shalt  }
0x74: {  	_ =	shalt  }
0x75: {  	_ =	shalt  }
0x76: {  	_ =	shalt  }
0x77: {  	_ =	shalt  }
0x78: {  	_ =	shalt  }
0x79: {  	_ =	shalt  }
0x7a: {  	_ =	shalt  }
0x7b: {  	_ =	shalt  }
0x7c: {  	_ =	shalt  }
0x7d: {  	_ =	shalt  }
0x7e: {  	_ =	shalt  }
0x7f: {  	_ =	shalt  }
0x80: {  	_ =	shalt  }
0x81: {  	_ =	shalt  }
0x82: {  	_ =	shalt  }
0x83: {  	_ =	shalt  }
0x84: {  	_ =	shalt  }
0x85: {  	_ =	shalt  }
0x86: {  	_ =	shalt  }
0x87: {  	_ =	shalt  }
.Lfunc_end0:
.L_simem_size_0:
called_computation_lowered:
.L_overlay_start_0:
0x88: {  	s2 =	sld [smem:$0x3FD9]  }
0x89: {  	s3 =	sld [smem:$0x3FFE];
	_ =	sdelay $0x1  }
0x8a: {  	s1 =	srdreg.scid  }
0x8b: {  	s0 =	sand.u32 $0x1, s1  }
0x8c: {  	s17 =	sshll.u32 s0, $0xA;
	s2 =	sadd.s32 s3, s2  }
0x8d: {  	s2 =	sadd.s32 s2, s17  }
0x8e: {  	[smem:$0x3FC4] =	sst s2  }
0x8f: {  	_ = 	snop  }
0x90: {  	s2 =	sld [smem:$0x3FD0];
	(tm) =	ssettm $0x1  }
0x91: {  	s18 =	sld [smem:$0x3FFB];
	_ =	sdelay $0x3  }
0x92: {  	_ =	strace s18  }
0x93: {  	s3 =	sld [smem:$0x3FFC];
	_ =	sdelay $0x3  }
0x94: {  	_ =	strace s3  }
0x95: {  	s3 =	sld [smem:$0x3FFD];
	_ =	sdelay $0x3  }
0x96: {  	_ =	strace s3  }
0x97: {  	_ =	strace $0x8FFFFFFF  }
0x98: {  	s19 =	sld [smem:$0x3FDB];
	_ =	sdelay $0x1  }
0x99: {  	s4 =	simm.s32 $_scs_section_size  }
0x9a: {  	s5 =	simm.s32 $_size__tile_overlayer_lowered;
	s6 =	simm.s32 $_tile_overlayer_lowered  }
0x9b: {  	s22 =	simm.s32 $0x1BFF;
	s21 =	sshll.u32 s6, $0x1;
	s3 =	sadd.s32 s4, s19  }
0x9c: {  	s7 =	simm.s32 $0x0;
	s20 =	sshll.u32 s5, $0x1;
	s5 =	sadd.s32 s21, s3  }
0x9d: {  	[timem:s7], [sflag:s22] =	dma.local [hbm:s5], s20  }
0x9e: {  	_ =	swait.ge [sflag:s22], s20  }
0x9f: {  	s4 =	ssub.s32 $0x0, s20;
	[sflag:s22] =	ssyncset.done $0x0  }
0xa0: {  	[sflag:s22] =	ssyncadd.s32 s4;
	_ =	sdelay $0x1  }
0xa1: {  	s23 =	simm.s32 $0x1B8B  }
0xa2: {  	_ =	swait.ge [sflag:s23], $0x1  }
0xa3: {  	[sflag:s23] =	ssyncset.done $0x0  }
0xa4: {  	s25 =	simm.s32 $0x1B8E;
	s24 =	sld [smem:$0x3FFE];
	[sflag:s23] =	ssyncadd.s32 $0xFFFFFFFF  }
0xa5: {  	s26 =	simm.s32 $execute0_lowered;
	[smem:$0x3FD2] =	sst s25  }
0xa6: {  	s5 =	sshll.u32 s26, $0x1;
	_ =	strace $0x80000046;
	[dreg:$0x1] =	wrdreg $0xFFFFFFFF  }
0xa7: {  	s28 =	simm.s32 $_size_execute0_lowered;
	s3 =	sadd.s32 s3, s5;
	[dreg:$0x0] =	wrdreg $0x0  }
0xa8: {  	s5 =	sshll.u32 s28, $0x1;
	[dreg:$0x2] =	wrdreg s3  }
0xa9: {  	[dreg:$0x3] =	wrdreg s5  }
0xaa: {  	[dreg:$0x4] =	wrdreg $0xC0  }
0xab: {  	_ =	task [dreg:s7], $0x5FFFF  }
0xac: {  	[dreg:$0x1] =	wrdreg $0xFFFFFFFF  }
0xad: {  	[dreg:$0x0] =	wrdreg $0x60  }
0xae: {  	[dreg:$0x2] =	wrdreg s24  }
0xaf: {  	[dreg:$0x3] =	wrdreg s2  }
0xb0: {  	[dreg:$0x4] =	wrdreg $0x9  }
0xb1: {  	_ =	task.clear_ibuf [dreg:s7], $0x5FFFF;
	_ =	strace $0x90000046  }
0xb2: {  	s29 =	simm.s32 $0x9;
	_ =	strace $0x80000048  }
0xb3: {  	_ =	swait.ge [sflag:s29], $0x1  }
0xb4: {  	[sflag:s29] =	ssyncadd.s32 $0xFFFFFFFF  }
0xb5: {  	_ =	strace $0x90000048  }
0xb6: {  	_ =	sfence  }
0xb7: {  	s30 =	sld [smem:$0x0];
	_ =	sdelay $0x2  }
0xb8: {  	s31 =	sshll.u32 s1, $0xD;
	s1 =	sshrl.u32 s1, $0x2  }
0xb9: {  	s3 =	sand.u32 $0x4000, s31;
	s1 =	sadd.s32 s1, s30  }
0xba: {  	s0 =	sor.u32 s3, s0;
	s1 =	sshll.u32 s1, $0x11  }
0xbb: {  	s0 =	sor.u32 s1, s0  }
0xbc: {  	s0 =	sadd.s32 $0x8F2B, s0  }
0xbd: {  	[sflag:s0] =	ssyncadd.remote.s32 $0x1  }
0xbe: {  	_ =	sfence.sel $0xFFFF  }
0xbf: {  	[dreg:$0x0] =	wrdreg $0xFFFFFFFF;
	(pc) =	sbr.abs _section_cstart, $3  }
0xc0: {  	[dreg:$0x1] =	wrdreg $0xFFFFFFFF  }
0xc1: {  	_ =	task.clear_ibuf [dreg:s7], $0x2FFFF;
	_ =	strace $0x9FFFFFFF  }
0xc2: {  	(tm) =	ssettm $0x7FFFFFFF  }
0xc3: {  	_ =	shalt  }
tec
execute0_lowered:
.L_overlay_start_1:
0x0: {  	(tag) =	ssettag $0x1  }
0x1: {  	s1 =	srdreg.scid;
	s9 =	rddreg [dreg:$0x0]  }
0x2: {  	s0 =	stileid.u32;
	s3 =	rddreg [dreg:$0x1]  }
0x3: {  	s2 =	simm.s32 $0x0;
	s7 =	simm.s32 $0x80;
	s6 =	sand.u32 $0x1, s1  }
0x4: {  	s4 =	sshll.u32 s0, $0x7;
	s1 =	rddreg [dreg:$0x2];
	s5 =	sshll.u32 s6, $0x6  }
0x5: {  	s8 =	simm.s32 $0x1;
	[smem:$0x7FF] =	sst s2;
	s10 =	sor.u32 s5, s4  }
0x6: {  	_ =	strace $0x80000047;
	s11 =	ssub.s32 $0x2, s6;
	s4 =	sshrl.u32 s10, $0x3  }
0x7: {  	s6 =	simm.s32 $0x40;
	s4 =	sadd.s32 s3, s4;
	s3 =	simm.s32 $0x2  }
0x8: {  	[tilespmem:s2], [sflag:$0x2] =	stream.linear.gather [hbm4b:s4+s2], $0x40, $0x38;
	[tilespmem:$0x2080] =	vst v63  }
0x9: {  	s5 =	sadd.s32 $0x200, s9;
	s12 =	sshrl.u32 s11, $0x1;
	_ =	swait.ge [sflag:s3], $0x40  }
0xa: {  	s10 =	sshll.u32 s10, $0x4;
	s31 =	ssub.s32 s11, s12;
	[sflag:s3] =	ssyncset.done $0x0  }
0xb: {  	s9 =	sadd.s32 s10, s9;
	s10 =	smax.u32 s31, $0x1;
	[sflag:s3] =	ssyncadd.s32 $0xFFFFFFC0  }
0xc: {  	[tilespmem:s7], [sflag:$0x1] =	stream.indirect.gather [hbm4b:s5+s6], $0x80, s2, s6, $0xb8;
	[tilespmem:$0x2080] =	vst v63  }
0xd: {  	p0 =	sne.s32 s10, $0x1;
	_ =	swait.ge [sflag:s8], $0x2000  }
.Ltmp0:
0xe: {  	[sflag:s8] =	ssyncset.done $0x0;
	(pc) =	sbr.rel @!p0 .LBB2_2-.Ltmp0, $4  }
0xf: {  	s9 =	sadd.s32 $0x4E400, s9;
	[sflag:s8] =	ssyncadd.s32 $0xFFFFE000  }
0x10: {  	[hbm4b:s9+s2] =	stream.linear.scatter [tilespmem:s7], [sflag:$0x2], $0x2000, $0x38;
	[tilespmem:$0x2080] =	vst v63  }
0x11: {  	_ =	swait.ge [sflag:s3], $0x2000  }
0x12: {  	s10 =	sadd.s32 $0xFFFFFFFF, s10;
	[sflag:s3] =	ssyncset.done $0x0  }
.LBB2_1:
0x13: {  	p0 =	sne.s32 s10, $0x1;
	s10 =	sadd.s32 $0xFFFFFFFF, s10;
	[sflag:s3] =	ssyncadd.s32 $0xFFFFE000  }
0x14: {  	[tilespmem:s2], [sflag:$0x2] =	stream.linear.gather [hbm4b:s4+s2], $0x40, $0x38;
	[tilespmem:$0x2080] =	vst v63  }
0x15: {  	_ =	swait.ge [sflag:s3], $0x40  }
0x16: {  	[sflag:s3] =	ssyncset.done $0x0  }
0x17: {  	[sflag:s3] =	ssyncadd.s32 $0xFFFFFFC0  }
0x18: {  	[tilespmem:s7], [sflag:$0x1] =	stream.indirect.gather [hbm4b:s5+s6], $0x80, s2, s6, $0xb8;
	[tilespmem:$0x2080] =	vst v63  }
0x19: {  	_ =	swait.ge [sflag:s8], $0x2000  }
.Ltmp1:
0x1a: {  	[sflag:s8] =	ssyncset.done $0x0;
	(pc) =	sbr.rel @p0 .LBB2_1-.Ltmp1, $4  }
0x1b: {  	[sflag:s8] =	ssyncadd.s32 $0xFFFFE000  }
0x1c: {  	[hbm4b:s9+s2] =	stream.linear.scatter [tilespmem:s7], [sflag:$0x2], $0x2000, $0x38;
	[tilespmem:$0x2080] =	vst v63  }
0x1d: {  	_ =	swait.ge [sflag:s3], $0x2000  }
0x1e: {  	[sflag:s3] =	ssyncset.done $0x0  }
.LBB2_2:
0x1f: {  	[sflag:s3] =	ssyncadd.s32 $0xFFFFE000  }
0x20: {  	_ =	sfence.sel $0x180000  }
0x21: {  	[bflag:$0x0] =	sbarrier.arrive $0xFFFF  }
0x22: {  	p0 =	sne.s32 s0, $0x0;
	_ =	strace $0x90000047  }
0x23: {  	s0 =	sadd.s32 @!p0 $0x100000, s1;
	[bflag:$0x2] =	sbarrier.arrive $0xFFFF  }
0x24: {  	[sflag:s0] =	ssyncadd.tile.s32 @!p0 $0x1;
	_ =	shalt  }
.Lfunc_end2:
_tile_overlayer_lowered:
.L_overlay_start_2:
0x25: {  	(tag) =	ssettag $0x2  }
0x26: {  	s0 =	rddreg [dreg:$0x0];
	s2 =	stileid.u32  }
0x27: {  	s1 =	rddreg [dreg:$0x1];
	p0 =	sne.s32 s2, $0x0  }
0x28: {  	s3 =	rddreg [dreg:$0x2];
	[bflag:$0x3] =	sbarrier.arrive $0xFFFF;
	s2 =	simm.s32 @!p0 $0x1C02  }
0x29: {  	[timem:s3], [sflag:s2] =	dma.local @!p0 [hbm:s0], s1  }
0x2a: {  	s0 =	simm.s32 @!p0 $0x2  }
0x2b: {  	_ =	swait.ge @!p0 [sflag:s0], s1  }
0x2c: {  	s1 =	ssub.s32 @!p0 $0x0, s1;
	[sflag:s0] =	ssyncset.done @!p0 $0x0  }
0x2d: {  	[sflag:s0] =	ssyncadd.s32 @!p0 s1  }
0x2e: {  	[bflag:$0x3] =	sbarrier.arrive $0xFFFF  }
0x2f: {  	_ =	shalt  }

</sc_bundles>
